<compile_context>
chip_gen: v7x
topology: tpu7x:2x2x1
jax: 0.10.2.dev20260603
libtpu: 0.0.44.dev20260713+nightly
codegen_flags: <defaults>
</compile_context>

<pallas_src>
import functools
import numpy as np
import jax
import jax.numpy as jnp
from jax import lax
from jax.experimental import pallas as pl
from jax.experimental.pallas import tpu as pltpu
from jax.experimental.pallas import tpu_sc as plsc

_ALPHA = 4


def _slow_idx(t: int) -> list:
    n = t // _ALPHA
    return [int(v) for v in np.linspace(0.0, t - 1, n).astype(np.int32)]


def _copy_body(in_ref, out_ref):
    out_ref[...] = in_ref[...]


def kernel(frames):
    c, t, h, w = frames.shape
    idx = _slow_idx(t)
    n = len(idx)
    assert idx == [(g * (t - 1)) // (n - 1) for g in range(n)]

    mesh = plsc.VectorSubcoreMesh(core_axis_name="c", subcore_axis_name="s")

    @functools.partial(
        pl.kernel,
        mesh=mesh,
        out_type=jax.ShapeDtypeStruct((c, n, h, w), frames.dtype),
        scratch_types=[
            pltpu.VMEM((h, w), frames.dtype),
            pltpu.SemaphoreType.DMA,
        ],
    )
    def sc_gather(frames_hbm, slow_hbm, buf, sem):
        cid = lax.axis_index("c")
        sid = lax.axis_index("s")
        wid = sid * 2 + cid

        @pl.when(wid < c * n)
        def _():
            ch = wid // n
            j = lax.rem(wid, n)
            src_t = (j * (t - 1)) // (n - 1)
            pltpu.async_copy(frames_hbm.at[ch, src_t], buf, sem).wait()
            pltpu.async_copy(buf, slow_hbm.at[ch, j], sem).wait()

    slow = sc_gather(frames)

    g_sz = 8
    fast = pl.pallas_call(
        _copy_body,
        grid=(c * t // g_sz,),
        in_specs=[
            pl.BlockSpec(
                (1, g_sz, h, w), lambda j, _n=t // g_sz: (j // _n, j % _n, 0, 0)
            )
        ],
        out_specs=pl.BlockSpec(
            (1, g_sz, h, w), lambda j, _n=t // g_sz: (j // _n, j % _n, 0, 0)
        ),
        out_shape=jax.ShapeDtypeStruct((c, t, h, w), frames.dtype),
    )(frames)
    return (slow, fast)

# --- scband reference (transcript-rebuilt; emitter-appended) ---
"""Pipeline reference for scband-pack-pathway-9861244912387 (READ-ONLY COPY).

The authoritative reference and input builder live on the scoring server;
editing this copy changes nothing except your own understanding.
"""

import jax, jax.numpy as jnp
import numpy as np

SLOWFAST_ALPHA = 4  # global in the original code

def setup_inputs(seed: int = 0) -> dict:
    key = jax.random.key(seed)
    frames = jax.random.normal(key, (3, 32, 224, 224), dtype=jnp.float32)
    return {"frames": frames}

def reference(frames):
    # fast pathway: all frames
    fast_pathway = frames
    # slow pathway: temporally subsampled via index_select on dim 1
    T = frames.shape[1]
    idx = jnp.linspace(0.0, T - 1, T // SLOWFAST_ALPHA).astype(jnp.int32)
    slow_pathway = jnp.take(frames, idx, axis=1)
    return (slow_pathway, fast_pathway)

if __name__ == "__main__":
    import jax
    _d = setup_inputs()
    print(jax.jit(kernel)(*tuple(_d.values())))

</pallas_src>

<mosaic_0001>
#map = affine_map<(d0, d1) -> (0, 0, 0, 0)>
module attributes {stable_mosaic.version = 14 : i64} {
  func.func @sc_gather(%arg0: i32, %arg1: i32, %arg2: memref<3x32x224x224xf32, #tpu.memory_space<hbm>>, %arg3: memref<3x8x224x224xf32, #tpu.memory_space<hbm>>, %arg4: memref<224x224xf32, #tpu.memory_space<vmem>>, %arg5: memref<!tpu.dma_semaphore, #tpu.memory_space<semaphore_mem>>) attributes {dimension_semantics = [#tpu.dimension_semantics<core_parallel>, #tpu.dimension_semantics<subcore_parallel>], iteration_bounds = array<i64: 2, 16>, scalar_prefetch = 0 : i64, scratch_operands = 2 : i64, tpu.core_type = #tpu.core_type<sc_vector_subcore>, window_params = [{transform_indices = #map}, {transform_indices = #map}]} {
    %mul3A = arith.constant 2 : i32
    %mul3A_0 = arith.muli %arg1, %mul3A : i32
    %add3A = arith.addi %mul3A_0, %arg0 : i32
    %lt3A = arith.constant 24 : i32
    %lt3A_1 = arith.cmpi slt, %add3A, %lt3A : i32
    %convert_element_type3A = arith.extui %lt3A_1 : i1 to i32
    %cond3A = arith.constant 0 : i32
    %cond3A_2 = arith.cmpi ne, %convert_element_type3A, %cond3A : i32
    scf.if %cond3A_2 {
      %jit3A = arith.constant 8 : i32
      %div3A = arith.divsi %add3A, %jit3A : i32
      %sign3A = arith.constant 0 : i32
      %sign3A_3 = arith.cmpi sgt, %add3A, %sign3A : i32
      %sign3A_4 = arith.extui %sign3A_3 : i1 to i32
      %sign3A_5 = arith.constant 0 : i32
      %sign3A_6 = arith.cmpi slt, %add3A, %sign3A_5 : i32
      %sign3A_7 = arith.extui %sign3A_6 : i1 to i32
      %sign3A_8 = arith.subi %sign3A_4, %sign3A_7 : i32
      %sign3A_9 = arith.constant 0 : i32
      %sign3A_10 = arith.cmpi sgt, %jit3A, %sign3A_9 : i32
      %sign3A_11 = arith.extui %sign3A_10 : i1 to i32
      %sign3A_12 = arith.constant 0 : i32
      %sign3A_13 = arith.cmpi slt, %jit3A, %sign3A_12 : i32
      %sign3A_14 = arith.extui %sign3A_13 : i1 to i32
      %sign3A_15 = arith.subi %sign3A_11, %sign3A_14 : i32
      %ne3A = arith.cmpi ne, %sign3A_8, %sign3A_15 : i32
      %rem3A = arith.remsi %add3A, %jit3A : i32
      %ne3A_16 = arith.constant 0 : i32
      %ne3A_17 = arith.cmpi ne, %rem3A, %ne3A_16 : i32
      %and3A = arith.andi %ne3A, %ne3A_17 : i1
      %sub3A = arith.constant 1 : i32
      %sub3A_18 = arith.subi %div3A, %sub3A : i32
      %select_n3A = arith.select %and3A, %sub3A_18, %div3A : i32
      %rem3A_19 = arith.constant 8 : i32
      %rem3A_20 = arith.remsi %add3A, %rem3A_19 : i32
      %mul3A_21 = arith.constant 31 : i32
      %mul3A_22 = arith.muli %rem3A_20, %mul3A_21 : i32
      %jit3A_23 = arith.constant 7 : i32
      %div3A_24 = arith.divsi %mul3A_22, %jit3A_23 : i32
      %sign3A_25 = arith.constant 0 : i32
      %sign3A_26 = arith.cmpi sgt, %mul3A_22, %sign3A_25 : i32
      %sign3A_27 = arith.extui %sign3A_26 : i1 to i32
      %sign3A_28 = arith.constant 0 : i32
      %sign3A_29 = arith.cmpi slt, %mul3A_22, %sign3A_28 : i32
      %sign3A_30 = arith.extui %sign3A_29 : i1 to i32
      %sign3A_31 = arith.subi %sign3A_27, %sign3A_30 : i32
      %sign3A_32 = arith.constant 0 : i32
      %sign3A_33 = arith.cmpi sgt, %jit3A_23, %sign3A_32 : i32
      %sign3A_34 = arith.extui %sign3A_33 : i1 to i32
      %sign3A_35 = arith.constant 0 : i32
      %sign3A_36 = arith.cmpi slt, %jit3A_23, %sign3A_35 : i32
      %sign3A_37 = arith.extui %sign3A_36 : i1 to i32
      %sign3A_38 = arith.subi %sign3A_34, %sign3A_37 : i32
      %ne3A_39 = arith.cmpi ne, %sign3A_31, %sign3A_38 : i32
      %rem3A_40 = arith.remsi %mul3A_22, %jit3A_23 : i32
      %ne3A_41 = arith.constant 0 : i32
      %ne3A_42 = arith.cmpi ne, %rem3A_40, %ne3A_41 : i32
      %and3A_43 = arith.andi %ne3A_39, %ne3A_42 : i1
      %sub3A_44 = arith.constant 1 : i32
      %sub3A_45 = arith.subi %div3A_24, %sub3A_44 : i32
      %select_n3A_46 = arith.select %and3A_43, %sub3A_45, %div3A_24 : i32
      %dma_start3A = arith.constant 0 : i32
      %dma_start3A_47 = arith.constant 0 : i32
      %dma_start3A_48 = tpu.memref_slice %arg2[%select_n3A, %select_n3A_46, %dma_start3A, %dma_start3A_47] : memref<3x32x224x224xf32, #tpu.memory_space<hbm>> -> memref<1x1x224x224xf32, #tpu.memory_space<hbm>>
      %dma_start3A_49 = tpu.memref_squeeze %dma_start3A_48 : memref<1x1x224x224xf32, #tpu.memory_space<hbm>> -> memref<224x224xf32, #tpu.memory_space<hbm>>
      %dma_start3A_50 = arith.constant 0 : i32
      %dma_start3A_51 = arith.constant 0 : i32
      %dma_start3A_52 = tpu.memref_slice %arg2[%select_n3A, %select_n3A_46, %dma_start3A_50, %dma_start3A_51] : memref<3x32x224x224xf32, #tpu.memory_space<hbm>> -> memref<1x1x224x224xf32, #tpu.memory_space<hbm>>
      %dma_start3A_53 = tpu.memref_squeeze %dma_start3A_52 : memref<1x1x224x224xf32, #tpu.memory_space<hbm>> -> memref<224x224xf32, #tpu.memory_space<hbm>>
      tpu.enqueue_dma source(%dma_start3A_53 : memref<224x224xf32, #tpu.memory_space<hbm>>) target(%arg4 : memref<224x224xf32, #tpu.memory_space<vmem>>) target_semaphore(%arg5 : memref<!tpu.dma_semaphore, #tpu.memory_space<semaphore_mem>>)
      %dma_wait3A = arith.constant 0 : i32
      %dma_wait3A_54 = arith.constant 0 : i32
      %dma_wait3A_55 = tpu.memref_slice %arg2[%select_n3A, %select_n3A_46, %dma_wait3A, %dma_wait3A_54] : memref<3x32x224x224xf32, #tpu.memory_space<hbm>> -> memref<1x1x224x224xf32, #tpu.memory_space<hbm>>
      %dma_wait3A_56 = tpu.memref_squeeze %dma_wait3A_55 : memref<1x1x224x224xf32, #tpu.memory_space<hbm>> -> memref<224x224xf32, #tpu.memory_space<hbm>>
      %dma_wait3A_57 = arith.constant 0 : i32
      %dma_wait3A_58 = arith.constant 0 : i32
      %dma_wait3A_59 = tpu.memref_slice %arg2[%select_n3A, %select_n3A_46, %dma_wait3A_57, %dma_wait3A_58] : memref<3x32x224x224xf32, #tpu.memory_space<hbm>> -> memref<1x1x224x224xf32, #tpu.memory_space<hbm>>
      %dma_wait3A_60 = tpu.memref_squeeze %dma_wait3A_59 : memref<1x1x224x224xf32, #tpu.memory_space<hbm>> -> memref<224x224xf32, #tpu.memory_space<hbm>>
      tpu.wait_dma2 semaphore(%arg5 : memref<!tpu.dma_semaphore, #tpu.memory_space<semaphore_mem>>) src(%dma_wait3A_60 : memref<224x224xf32, #tpu.memory_space<hbm>>) dst(%arg4 : memref<224x224xf32, #tpu.memory_space<vmem>>)
      %dma_start3A_61 = arith.constant 0 : i32
      %dma_start3A_62 = arith.constant 0 : i32
      %dma_start3A_63 = tpu.memref_slice %arg3[%select_n3A, %rem3A_20, %dma_start3A_61, %dma_start3A_62] : memref<3x8x224x224xf32, #tpu.memory_space<hbm>> -> memref<1x1x224x224xf32, #tpu.memory_space<hbm>>
      %dma_start3A_64 = tpu.memref_squeeze %dma_start3A_63 : memref<1x1x224x224xf32, #tpu.memory_space<hbm>> -> memref<224x224xf32, #tpu.memory_space<hbm>>
      %dma_start3A_65 = arith.constant 0 : i32
      %dma_start3A_66 = arith.constant 0 : i32
      %dma_start3A_67 = tpu.memref_slice %arg3[%select_n3A, %rem3A_20, %dma_start3A_65, %dma_start3A_66] : memref<3x8x224x224xf32, #tpu.memory_space<hbm>> -> memref<1x1x224x224xf32, #tpu.memory_space<hbm>>
      %dma_start3A_68 = tpu.memref_squeeze %dma_start3A_67 : memref<1x1x224x224xf32, #tpu.memory_space<hbm>> -> memref<224x224xf32, #tpu.memory_space<hbm>>
      tpu.enqueue_dma source(%arg4 : memref<224x224xf32, #tpu.memory_space<vmem>>) target(%dma_start3A_68 : memref<224x224xf32, #tpu.memory_space<hbm>>) target_semaphore(%arg5 : memref<!tpu.dma_semaphore, #tpu.memory_space<semaphore_mem>>)
      %dma_wait3A_69 = arith.constant 0 : i32
      %dma_wait3A_70 = arith.constant 0 : i32
      %dma_wait3A_71 = tpu.memref_slice %arg3[%select_n3A, %rem3A_20, %dma_wait3A_69, %dma_wait3A_70] : memref<3x8x224x224xf32, #tpu.memory_space<hbm>> -> memref<1x1x224x224xf32, #tpu.memory_space<hbm>>
      %dma_wait3A_72 = tpu.memref_squeeze %dma_wait3A_71 : memref<1x1x224x224xf32, #tpu.memory_space<hbm>> -> memref<224x224xf32, #tpu.memory_space<hbm>>
      %dma_wait3A_73 = arith.constant 0 : i32
      %dma_wait3A_74 = arith.constant 0 : i32
      %dma_wait3A_75 = tpu.memref_slice %arg3[%select_n3A, %rem3A_20, %dma_wait3A_73, %dma_wait3A_74] : memref<3x8x224x224xf32, #tpu.memory_space<hbm>> -> memref<1x1x224x224xf32, #tpu.memory_space<hbm>>
      %dma_wait3A_76 = tpu.memref_squeeze %dma_wait3A_75 : memref<1x1x224x224xf32, #tpu.memory_space<hbm>> -> memref<224x224xf32, #tpu.memory_space<hbm>>
      tpu.wait_dma2 semaphore(%arg5 : memref<!tpu.dma_semaphore, #tpu.memory_space<semaphore_mem>>) src(%arg4 : memref<224x224xf32, #tpu.memory_space<vmem>>) dst(%dma_wait3A_76 : memref<224x224xf32, #tpu.memory_space<hbm>>)
    } else {
    }
    return
  }
}

module attributes {stable_mosaic.version = 14 : i64} {
  func.func @_copy_body(%arg0: i32, %arg1: memref<1x8x224x224xf32, #tpu.memory_space<vmem>>, %arg2: memref<1x8x224x224xf32, #tpu.memory_space<vmem>>) attributes {dimension_semantics = [#tpu.dimension_semantics<arbitrary>], iteration_bounds = array<i64: 12>, scalar_prefetch = 0 : i64, scratch_operands = 0 : i64, tpu.core_type = #tpu.core_type<tc>, window_params = [{transform_indices = @transform_0, window_bounds = array<i64: 1, 8, 224, 224>}, {transform_indices = @transform_1, window_bounds = array<i64: 1, 8, 224, 224>}]} {
    %get3A = arith.constant 0 : index
    %get3A_0 = arith.constant 0 : index
    %get3A_1 = arith.constant 0 : index
    %get3A_2 = arith.constant 0 : index
    %get3A_3 = vector.load %arg1[%get3A, %get3A_0, %get3A_1, %get3A_2] : memref<1x8x224x224xf32, #tpu.memory_space<vmem>>, vector<1x8x224x224xf32>
    %swap3A = arith.constant 0 : index
    %swap3A_4 = arith.constant 0 : index
    %swap3A_5 = arith.constant 0 : index
    %swap3A_6 = arith.constant 0 : index
    %swap3A_7 = vector.load %arg2[%swap3A, %swap3A_4, %swap3A_5, %swap3A_6] : memref<1x8x224x224xf32, #tpu.memory_space<vmem>>, vector<1x8x224x224xf32>
    tpu.vector_store %arg2[%swap3A, %swap3A_4, %swap3A_5, %swap3A_6], %get3A_3 {strides = array<i32>} : memref<1x8x224x224xf32, #tpu.memory_space<vmem>>, vector<1x8x224x224xf32>,
    return
  }
  func.func @transform_0(%arg0: i32) -> (i32, i32, i32, i32) {
    %jit3A = arith.constant 4 : i32
    %div3A = arith.divsi %arg0, %jit3A : i32
    %sign3A = arith.constant 0 : i32
    %sign3A_0 = arith.cmpi sgt, %arg0, %sign3A : i32
    %sign3A_1 = arith.extui %sign3A_0 : i1 to i32
    %sign3A_2 = arith.constant 0 : i32
    %sign3A_3 = arith.cmpi slt, %arg0, %sign3A_2 : i32
    %sign3A_4 = arith.extui %sign3A_3 : i1 to i32
    %sign3A_5 = arith.subi %sign3A_1, %sign3A_4 : i32
    %sign3A_6 = arith.constant 0 : i32
    %sign3A_7 = arith.cmpi sgt, %jit3A, %sign3A_6 : i32
    %sign3A_8 = arith.extui %sign3A_7 : i1 to i32
    %sign3A_9 = arith.constant 0 : i32
    %sign3A_10 = arith.cmpi slt, %jit3A, %sign3A_9 : i32
    %sign3A_11 = arith.extui %sign3A_10 : i1 to i32
    %sign3A_12 = arith.subi %sign3A_8, %sign3A_11 : i32
    %ne3A = arith.cmpi ne, %sign3A_5, %sign3A_12 : i32
    %rem3A = arith.remsi %arg0, %jit3A : i32
    %ne3A_13 = arith.constant 0 : i32
    %ne3A_14 = arith.cmpi ne, %rem3A, %ne3A_13 : i32
    %and3A = arith.andi %ne3A, %ne3A_14 : i1
    %sub3A = arith.constant 1 : i32
    %sub3A_15 = arith.subi %div3A, %sub3A : i32
    %select_n3A = arith.select %and3A, %sub3A_15, %div3A : i32
    %jit3A_16 = arith.constant 4 : i32
    %eq3A = arith.constant 0 : i32
    %eq3A_17 = arith.cmpi eq, %jit3A_16, %eq3A : i32
    %jit3A_18 = arith.constant 1 : i32
    %select_n3A_19 = arith.select %eq3A_17, %jit3A_18, %jit3A_16 : i32
    %rem3A_20 = arith.remsi %arg0, %select_n3A_19 : i32
    %ne3A_21 = arith.constant 0 : i32
    %ne3A_22 = arith.cmpi ne, %rem3A_20, %ne3A_21 : i32
    %lt3A = arith.constant 0 : i32
    %lt3A_23 = arith.cmpi slt, %rem3A_20, %lt3A : i32
    %lt3A_24 = arith.constant 0 : i32
    %lt3A_25 = arith.cmpi slt, %select_n3A_19, %lt3A_24 : i32
    %ne3A_26 = arith.xori %lt3A_23, %lt3A_25 : i1
    %and3A_27 = arith.andi %ne3A_26, %ne3A_22 : i1
    %add3A = arith.addi %rem3A_20, %select_n3A_19 : i32
    %select_n3A_28 = arith.select %and3A_27, %add3A, %rem3A_20 : i32
    %c0_i32 = arith.constant 0 : i32
    %c0_i32_29 = arith.constant 0 : i32
    %c0_i32_30 = arith.constant 0 : i32
    return %select_n3A, %select_n3A_28, %c0_i32, %c0_i32_29 : i32, i32, i32, i32
  }
  func.func @transform_1(%arg0: i32) -> (i32, i32, i32, i32) {
    %jit3A = arith.constant 4 : i32
    %div3A = arith.divsi %arg0, %jit3A : i32
    %sign3A = arith.constant 0 : i32
    %sign3A_0 = arith.cmpi sgt, %arg0, %sign3A : i32
    %sign3A_1 = arith.extui %sign3A_0 : i1 to i32
    %sign3A_2 = arith.constant 0 : i32
    %sign3A_3 = arith.cmpi slt, %arg0, %sign3A_2 : i32
    %sign3A_4 = arith.extui %sign3A_3 : i1 to i32
    %sign3A_5 = arith.subi %sign3A_1, %sign3A_4 : i32
    %sign3A_6 = arith.constant 0 : i32
    %sign3A_7 = arith.cmpi sgt, %jit3A, %sign3A_6 : i32
    %sign3A_8 = arith.extui %sign3A_7 : i1 to i32
    %sign3A_9 = arith.constant 0 : i32
    %sign3A_10 = arith.cmpi slt, %jit3A, %sign3A_9 : i32
    %sign3A_11 = arith.extui %sign3A_10 : i1 to i32
    %sign3A_12 = arith.subi %sign3A_8, %sign3A_11 : i32
    %ne3A = arith.cmpi ne, %sign3A_5, %sign3A_12 : i32
    %rem3A = arith.remsi %arg0, %jit3A : i32
    %ne3A_13 = arith.constant 0 : i32
    %ne3A_14 = arith.cmpi ne, %rem3A, %ne3A_13 : i32
    %and3A = arith.andi %ne3A, %ne3A_14 : i1
    %sub3A = arith.constant 1 : i32
    %sub3A_15 = arith.subi %div3A, %sub3A : i32
    %select_n3A = arith.select %and3A, %sub3A_15, %div3A : i32
    %jit3A_16 = arith.constant 4 : i32
    %eq3A = arith.constant 0 : i32
    %eq3A_17 = arith.cmpi eq, %jit3A_16, %eq3A : i32
    %jit3A_18 = arith.constant 1 : i32
    %select_n3A_19 = arith.select %eq3A_17, %jit3A_18, %jit3A_16 : i32
    %rem3A_20 = arith.remsi %arg0, %select_n3A_19 : i32
    %ne3A_21 = arith.constant 0 : i32
    %ne3A_22 = arith.cmpi ne, %rem3A_20, %ne3A_21 : i32
    %lt3A = arith.constant 0 : i32
    %lt3A_23 = arith.cmpi slt, %rem3A_20, %lt3A : i32
    %lt3A_24 = arith.constant 0 : i32
    %lt3A_25 = arith.cmpi slt, %select_n3A_19, %lt3A_24 : i32
    %ne3A_26 = arith.xori %lt3A_23, %lt3A_25 : i1
    %and3A_27 = arith.andi %ne3A_26, %ne3A_22 : i1
    %add3A = arith.addi %rem3A_20, %select_n3A_19 : i32
    %select_n3A_28 = arith.select %and3A_27, %add3A, %rem3A_20 : i32
    %c0_i32 = arith.constant 0 : i32
    %c0_i32_29 = arith.constant 0 : i32
    %c0_i32_30 = arith.constant 0 : i32
    return %select_n3A, %select_n3A_28, %c0_i32, %c0_i32_29 : i32, i32, i32, i32
  }
}

</mosaic_0001>

<sc_bundles>
// kernel: kernel.4.cloned.1.call-start
scs
__scs_entry_jumppad:
0x0: {  	(pc) =	sbr.rel $0x88, $3  }
0x1: {  	(tag) =	ssettag $0x0;
	lr =	simm.s32 $0x1  }
0x2: {  	[smem:$0x3FA0] =	sst lr;
	_ =	strace $0xD0000000  }
0x3: {  	_ = 	snop  }
0x4: {  	_ = 	snop  }
0x5: {  	_ = 	snop  }
0x6: {  	_ = 	snop  }
0x7: {  	_ = 	snop  }
__scs_overlays_trampoline_lowered:
0x8: {  	[smem:$0x3FAF] =	sst s0  }
0x9: {  	[smem:$0x3FB0] =	sst s1  }
0xa: {  	[smem:$0x3FB1] =	sst s2  }
0xb: {  	[smem:$0x3FB2] =	sst s3  }
0xc: {  	[smem:$0x3FB3] =	sst s4  }
0xd: {  	[smem:$0x3FB4] =	sst s5  }
0xe: {  	[smem:$0x3FB5] =	sst s6  }
0xf: {  	[smem:$0x3FB6] =	sst s7  }
0x10: {  	[smem:$0x3FB7] =	sst s8  }
0x11: {  	[smem:$0x3FB8] =	sst s9;
	s0 =	simm.s32 @!p0 $0x0  }
0x12: {  	s1 =	sld [smem:$0x3F9E];
	s0 =	simm.s32 @p0 $0x1  }
0x13: {  	[smem:$0x3FB9] =	sst s0;
	s0 =	simm.s32 @!p1 $0x0  }
0x14: {  	s2 =	sld [smem:$0x3F9D];
	s0 =	simm.s32 @p1 $0x1  }
0x15: {  	[smem:$0x3FBA] =	sst s0;
	s0 =	simm.s32 @!p2 $0x0  }
0x16: {  	s3 =	sld [smem:$0x3FDB];
	s0 =	simm.s32 @p2 $0x1  }
0x17: {  	s4 =	simm.s32 $0x1BF5;
	[smem:$0x3FBC] =	sst s0  }
0x18: {  	s0 =	sld [smem:$0x3F9F];
	_ =	swait.ge [sflag:s4], $0x0  }
0x19: {  	s7 =	sld [smem:$0x3FA0]  }
0x1a: {  	s8 =	sadd.s32 $0xFFFFE003, lr  }
0x1b: {  	s9 =	sadd.s32 $0xFFFFFEF7, lr;
	s5 =	simm.s32 $0xFFFFFFFF;
	p2 =	slt.u32 s8, $0xFFFFF086  }
0x1c: {  	p1 =	slt.u32 s9, $0xF7A;
	s5 =	simm.s32 @!p2 $0x0  }
0x1d: {  	s5 =	simm.s32 @p1 $0x1;
	p0 =	seq.s32 s7, s2  }
0x1e: {  	s7 =	smul.u32 @!p0 $0xF7A, s2;
	p2 =	seq.s32 @!p0 s5, $0x0  }
0x1f: {  	s9 =	smul.u32 $0xF7A, s1;
	s8 =	simm.s32 @!p0 $0x1BF5;
	p2 =	por !p2, p0  }
0x20: {  	[sflag:s8] =	ssyncset.s32 @!p0 $0xFFFFF086;
	s6 =	sadd.s32 @!p0 s3, s7;
	s7 =	simm.s32 @!p0 $0x108  }
0x21: {  	s3 =	sadd.s32 s3, s9;
	s6 =	sadd.s32 @!p0 $0x88, s6;
	s7 =	simm.s32 @p2 $0x1082  }
0x22: {  	[simem:s7], [sflag:s8] =	dma.local @!p0 [hbm:s6], $0xF7A  }
0x23: {  	s9 =	sor.u32 $0xD0000000, s2;
	s6 =	simm.s32 $0x108;
	_ =	swait.ge @!p0 [sflag:s8], $0x0  }
0x24: {  	s3 =	sadd.s32 $0x88, s3;
	s6 =	simm.s32 @!p1 $0x1082;
	[sflag:s4] =	ssyncset.s32 $0xFFFFF086  }
0x25: {  	[simem:s6], [sflag:s4] =	dma.local [hbm:s3], $0xF7A  }
0x26: {  	[smem:$0x3FA0] =	sst s1;
	(tag) =	ssettag s2;
	_ =	strace s9  }
0x27: {  	s1 =	sld [smem:$0x3FB0]  }
0x28: {  	s2 =	sld [smem:$0x3FB1]  }
0x29: {  	s4 =	sld [smem:$0x3FB3]  }
0x2a: {  	p0 =	seq.s32 s5, $0x0;
	s5 =	sld [smem:$0x3FB4]  }
0x2b: {  	s6 =	sld [smem:$0x3FB5]  }
0x2c: {  	s7 =	sld [smem:$0x3FB6]  }
0x2d: {  	s3 =	simm.s32 $0x108;
	s8 =	sld [smem:$0x3FB7]  }
0x2e: {  	s3 =	simm.s32 @!p0 $0x1082;
	s9 =	sld [smem:$0x3FB8]  }
0x2f: {  	lr =	sadd.s32 s0, s3;
	s0 =	sld [smem:$0x3FAF]  }
0x30: {  	s3 =	sld [smem:$0x3FB2]  }
0x31: {  	[smem:$0x3FBB] =	sst s10  }
0x32: {  	s10 =	sld [smem:$0x3FB9];
	_ =	sdelay $0x3  }
0x33: {  	p0 =	seq.s32 s10, $0x1;
	s10 =	sld [smem:$0x3FBB];
	_ =	sdelay $0x3  }
0x34: {  	[smem:$0x3FBB] =	sst s10  }
0x35: {  	s10 =	sld [smem:$0x3FBA];
	_ =	sdelay $0x3  }
0x36: {  	p1 =	seq.s32 s10, $0x1;
	s10 =	sld [smem:$0x3FBB];
	_ =	sdelay $0x3  }
0x37: {  	[smem:$0x3FBB] =	sst s10  }
0x38: {  	s10 =	sld [smem:$0x3FBC]  }
0x39: {  	_ = 	snop;
	(pc) =	sbr.ind lr, $3  }
0x3a: {  	_ = 	snop  }
0x3b: {  	_ = 	snop  }
0x3c: {  	p2 =	seq.s32 s10, $0x1;
	s10 =	sld [smem:$0x3FBB]  }
0x3d: {  	_ =	shalt  }
0x3e: {  	_ =	shalt  }
0x3f: {  	_ =	shalt  }
0x40: {  	_ =	shalt  }
0x41: {  	_ =	shalt  }
0x42: {  	_ =	shalt  }
0x43: {  	_ =	shalt  }
0x44: {  	_ =	shalt  }
0x45: {  	_ =	shalt  }
0x46: {  	_ =	shalt  }
0x47: {  	_ =	shalt  }
0x48: {  	_ =	shalt  }
0x49: {  	_ =	shalt  }
0x4a: {  	_ =	shalt  }
0x4b: {  	_ =	shalt  }
0x4c: {  	_ =	shalt  }
0x4d: {  	_ =	shalt  }
0x4e: {  	_ =	shalt  }
0x4f: {  	_ =	shalt  }
0x50: {  	_ =	shalt  }
0x51: {  	_ =	shalt  }
0x52: {  	_ =	shalt  }
0x53: {  	_ =	shalt  }
0x54: {  	_ =	shalt  }
0x55: {  	_ =	shalt  }
0x56: {  	_ =	shalt  }
0x57: {  	_ =	shalt  }
0x58: {  	_ =	shalt  }
0x59: {  	_ =	shalt  }
0x5a: {  	_ =	shalt  }
0x5b: {  	_ =	shalt  }
0x5c: {  	_ =	shalt  }
0x5d: {  	_ =	shalt  }
0x5e: {  	_ =	shalt  }
0x5f: {  	_ =	shalt  }
0x60: {  	_ =	shalt  }
0x61: {  	_ =	shalt  }
0x62: {  	_ =	shalt  }
0x63: {  	_ =	shalt  }
0x64: {  	_ =	shalt  }
0x65: {  	_ =	shalt  }
0x66: {  	_ =	shalt  }
0x67: {  	_ =	shalt  }
0x68: {  	_ =	shalt  }
0x69: {  	_ =	shalt  }
0x6a: {  	_ =	shalt  }
0x6b: {  	_ =	shalt  }
0x6c: {  	_ =	shalt  }
0x6d: {  	_ =	shalt  }
0x6e: {  	_ =	shalt  }
0x6f: {  	_ =	shalt  }
0x70: {  	_ =	shalt  }
0x71: {  	_ =	shalt  }
0x72: {  	_ =	shalt  }
0x73: {  	_ =	shalt  }
0x74: {  	_ =	shalt  }
0x75: {  	_ =	shalt  }
0x76: {  	_ =	shalt  }
0x77: {  	_ =	shalt  }
0x78: {  	_ =	shalt  }
0x79: {  	_ =	shalt  }
0x7a: {  	_ =	shalt  }
0x7b: {  	_ =	shalt  }
0x7c: {  	_ =	shalt  }
0x7d: {  	_ =	shalt  }
0x7e: {  	_ =	shalt  }
0x7f: {  	_ =	shalt  }
0x80: {  	_ =	shalt  }
0x81: {  	_ =	shalt  }
0x82: {  	_ =	shalt  }
0x83: {  	_ =	shalt  }
0x84: {  	_ =	shalt  }
0x85: {  	_ =	shalt  }
0x86: {  	_ =	shalt  }
0x87: {  	_ =	shalt  }
.Lfunc_end0:
.L_simem_size_0:
called_computation_lowered:
.L_overlay_start_0:
0x88: {  	s2 =	sld [smem:$0x3FD9]  }
0x89: {  	s3 =	sld [smem:$0x3FFE];
	_ =	sdelay $0x1  }
0x8a: {  	s1 =	srdreg.scid  }
0x8b: {  	s0 =	sand.u32 $0x1, s1  }
0x8c: {  	s15 =	sshll.u32 s0, $0xA;
	s2 =	sadd.s32 s3, s2  }
0x8d: {  	s2 =	sadd.s32 s2, s15  }
0x8e: {  	[smem:$0x3FC7] =	sst s2  }
0x8f: {  	_ = 	snop  }
0x90: {  	s2 =	sld [smem:$0x3FD0];
	_ =	sdelay $0x2  }
0x91: {  	s4 =	simm.s32 $0xA;
	s5 =	simm.s32 $0x10;
	s16 =	sld [smem:$0x3FC9]  }
0x92: {  	[smem:s5], [sflag:s4] =	dma.local [hbm:s2], $0x1  }
0x93: {  	_ =	swait.eq [sflag:s4], $0x1  }
0x94: {  	[sflag:s4] =	ssyncset.done $0x0  }
0x95: {  	[sflag:s4] =	ssyncadd.s32 $0xFFFFFFFF  }
0x96: {  	s17 =	sld [smem:$0x10];
	(tm) =	ssettm $0x1  }
0x97: {  	s18 =	sld [smem:$0x3FFB];
	_ =	sdelay $0x3  }
0x98: {  	_ =	strace s18  }
0x99: {  	s4 =	sld [smem:$0x3FFC];
	_ =	sdelay $0x3  }
0x9a: {  	_ =	strace s4  }
0x9b: {  	s4 =	sld [smem:$0x3FFD];
	_ =	sdelay $0x3  }
0x9c: {  	_ =	strace s4  }
0x9d: {  	_ =	strace $0x8FFFFFFF  }
0x9e: {  	s19 =	sld [smem:$0x3FDB];
	_ =	sdelay $0x1  }
0x9f: {  	s20 =	simm.s32 $_scs_section_size  }
0xa0: {  	s6 =	simm.s32 $_size__tile_overlayer_lowered;
	s7 =	simm.s32 $_tile_overlayer_lowered  }
0xa1: {  	s23 =	simm.s32 $0x1BFF;
	s22 =	sshll.u32 s7, $0x1;
	s4 =	sadd.s32 s20, s19  }
0xa2: {  	s8 =	simm.s32 $0x0;
	s21 =	sshll.u32 s6, $0x1;
	s6 =	sadd.s32 s22, s4  }
0xa3: {  	[timem:s8], [sflag:s23] =	dma.local [hbm:s6], s21  }
0xa4: {  	_ =	swait.ge [sflag:s23], s21  }
0xa5: {  	s5 =	ssub.s32 $0x0, s21;
	[sflag:s23] =	ssyncset.done $0x0  }
0xa6: {  	[sflag:s23] =	ssyncadd.s32 s5;
	_ =	sdelay $0x1  }
0xa7: {  	s24 =	simm.s32 $0x1B8B  }
0xa8: {  	_ =	swait.ge [sflag:s24], $0x1  }
0xa9: {  	[sflag:s24] =	ssyncset.done $0x0  }
0xaa: {  	s25 =	simm.s32 $0x1B8E;
	[sflag:s24] =	ssyncadd.s32 $0xFFFFFFFF  }
0xab: {  	s26 =	simm.s32 $execute0_lowered;
	[smem:$0x3FD2] =	sst s25  }
0xac: {  	s5 =	sshll.u32 s26, $0x1;
	_ =	strace $0x80000046;
	[dreg:$0x1] =	wrdreg $0xFFFFFFFF  }
0xad: {  	s28 =	simm.s32 $_size_execute0_lowered;
	s4 =	sadd.s32 s4, s5;
	[dreg:$0x0] =	wrdreg $0x0  }
0xae: {  	s5 =	sshll.u32 s28, $0x1;
	[dreg:$0x2] =	wrdreg s4  }
0xaf: {  	[dreg:$0x3] =	wrdreg s5  }
0xb0: {  	[dreg:$0x4] =	wrdreg $0xC0  }
0xb1: {  	_ =	task [dreg:s8], $0x5FFFF  }
0xb2: {  	[dreg:$0x1] =	wrdreg $0xFFFFFFFF  }
0xb3: {  	[dreg:$0x0] =	wrdreg $0x60  }
0xb4: {  	[dreg:$0x2] =	wrdreg s16  }
0xb5: {  	[dreg:$0x3] =	wrdreg s17  }
0xb6: {  	[dreg:$0x4] =	wrdreg $0x9  }
0xb7: {  	_ =	task.clear_ibuf [dreg:s8], $0x5FFFF;
	_ =	strace $0x90000046  }
0xb8: {  	s29 =	simm.s32 $0x9;
	_ =	strace $0x80000048  }
0xb9: {  	_ =	swait.ge [sflag:s29], $0x1  }
0xba: {  	[sflag:s29] =	ssyncadd.s32 $0xFFFFFFFF  }
0xbb: {  	_ =	strace $0x90000048  }
0xbc: {  	_ =	sfence  }
0xbd: {  	s30 =	sld [smem:$0x0];
	_ =	sdelay $0x2  }
0xbe: {  	s31 =	sshll.u32 s1, $0xD;
	s1 =	sshrl.u32 s1, $0x2  }
0xbf: {  	s3 =	sand.u32 $0x4000, s31;
	s1 =	sadd.s32 s1, s30  }
0xc0: {  	s0 =	sor.u32 s3, s0;
	s1 =	sshll.u32 s1, $0x11  }
0xc1: {  	s0 =	sor.u32 s1, s0  }
0xc2: {  	s0 =	sadd.s32 $0x8F2B, s0  }
0xc3: {  	[sflag:s0] =	ssyncadd.remote.s32 $0x1  }
0xc4: {  	_ =	sfence.sel $0xFFFF  }
0xc5: {  	[dreg:$0x0] =	wrdreg $0xFFFFFFFF;
	(pc) =	sbr.abs _section_cstart, $3  }
0xc6: {  	[dreg:$0x1] =	wrdreg $0xFFFFFFFF  }
0xc7: {  	_ =	task.clear_ibuf [dreg:s8], $0x2FFFF;
	_ =	strace $0x9FFFFFFF  }
0xc8: {  	(tm) =	ssettm $0x7FFFFFFF  }
0xc9: {  	_ =	shalt  }
tec
execute0_lowered:
.L_overlay_start_1:
0x0: {  	(tag) =	ssettag $0x1  }
0x1: {  	s1 =	stileid.u32  }
0x2: {  	p0 =	sgt.u32 s1, $0xB  }
.Ltmp0:
0x3: {  	_ = 	snop;
	(pc) =	sbr.rel @p0 .LBB2_4-.Ltmp0, $4  }
0x4: {  	s4 =	rddreg [dreg:$0x0]  }
0x5: {  	s3 =	rddreg [dreg:$0x1];
	s2 =	simm.s32 $0x0  }
0x6: {  	[smem:$0x7FF] =	sst s2  }
0x7: {  	s0 =	rddreg [dreg:$0x2];
	_ =	strace $0x80000047  }
0x8: {  	s5 =	srdreg.scid;
	s6 =	sshll.u32 s1, $0x1  }
0x9: {  	s5 =	sand.u32 $0x1, s5;
	s6 =	sand.u32 $0x6, s6  }
0xa: {  	s6 =	sor.u32 s5, s6  }
0xb: {  	s7 =	smul.u32 $0x47B, s6  }
0xc: {  	s8 =	smul.u32 $0x1F, s6  }
0xd: {  	s7 =	sshrl.u32 s7, $0x8  }
0xe: {  	s8 =	ssub.s32 s8, s7  }
0xf: {  	s8 =	sand.u32 $0xFE, s8  }
0x10: {  	s8 =	sshrl.u32 s8, $0x1  }
0x11: {  	s28 =	sshrl.u32 s1, $0x2;
	s7 =	sadd.s32 s7, s8  }
0x12: {  	s9 =	smul.u32 $0x1C0000, s28;
	s7 =	sshrl.u32 s7, $0x2  }
0x13: {  	s7 =	smul.u32 $0xE000, s7;
	_ =	sdelay $0x1  }
0x14: {  	s29 =	ssub.s32 $0x2, s5;
	s7 =	sadd.s32 s9, s7  }
0x15: {  	s6 =	smul.u32 $0xE000, s6;
	s30 =	sshrl.u32 s29, $0x1;
	s7 =	sshrl.u32 s7, $0x3  }
0x16: {  	s8 =	smul.u32 $0x70000, s28;
	s5 =	sadd.s32 s4, s7;
	s7 =	ssub.s32 s29, s30  }
0x17: {  	[tilespmem:s2], [sflag:$0x1] =	stream.linear.gather [hbm4b:s5+s2], $0xE000, $0x38;
	[tilespmem:$0xE000] =	vst v63  }
0x18: {  	s4 =	simm.s32 $0x1;
	s31 =	smax.u32 s7, $0x1  }
0x19: {  	s6 =	sadd.s32 s8, s6;
	_ =	swait.ge [sflag:s4], $0xE000;
	p0 =	sne.s32 s31, $0x1  }
.Ltmp1:
0x1a: {  	s6 =	sshrl.u32 s6, $0x3;
	[sflag:s4] =	ssyncset.done $0x0;
	(pc) =	sbr.rel @!p0 .LBB2_3-.Ltmp1, $4  }
0x1b: {  	s3 =	sadd.s32 s3, s6;
	[sflag:s4] =	ssyncadd.s32 $0xFFFF2000  }
0x1c: {  	[hbm4b:s3+s2] =	stream.linear.scatter [tilespmem:s2], [sflag:$0x1], $0xE000, $0x38;
	[tilespmem:$0xE000] =	vst v63  }
0x1d: {  	_ =	swait.ge [sflag:s4], $0xE000  }
0x1e: {  	s6 =	sadd.s32 $0xFFFFFFFF, s31;
	[sflag:s4] =	ssyncset.done $0x0  }
.LBB2_2:
0x1f: {  	p0 =	sne.s32 s6, $0x1;
	s6 =	sadd.s32 $0xFFFFFFFF, s6;
	[sflag:s4] =	ssyncadd.s32 $0xFFFF2000  }
0x20: {  	[tilespmem:s2], [sflag:$0x1] =	stream.linear.gather [hbm4b:s5+s2], $0xE000, $0x38;
	[tilespmem:$0xE000] =	vst v63  }
0x21: {  	_ =	swait.ge [sflag:s4], $0xE000  }
.Ltmp2:
0x22: {  	[sflag:s4] =	ssyncset.done $0x0;
	(pc) =	sbr.rel @p0 .LBB2_2-.Ltmp2, $4  }
0x23: {  	[sflag:s4] =	ssyncadd.s32 $0xFFFF2000  }
0x24: {  	[hbm4b:s3+s2] =	stream.linear.scatter [tilespmem:s2], [sflag:$0x1], $0xE000, $0x38;
	[tilespmem:$0xE000] =	vst v63  }
0x25: {  	_ =	swait.ge [sflag:s4], $0xE000  }
0x26: {  	[sflag:s4] =	ssyncset.done $0x0  }
.LBB2_3:
0x27: {  	[sflag:s4] =	ssyncadd.s32 $0xFFFF2000  }
.LBB2_4:
0x28: {  	_ =	sfence.sel $0x180000  }
0x29: {  	[bflag:$0x0] =	sbarrier.arrive $0xFFFF  }
0x2a: {  	p0 =	sne.s32 s1, $0x0;
	_ =	strace $0x90000047  }
0x2b: {  	s0 =	sadd.s32 @!p0 $0x100000, s0;
	[bflag:$0x2] =	sbarrier.arrive $0xFFFF  }
0x2c: {  	[sflag:s0] =	ssyncadd.tile.s32 @!p0 $0x1;
	_ =	shalt  }
.Lfunc_end2:
_tile_overlayer_lowered:
.L_overlay_start_2:
0x2d: {  	(tag) =	ssettag $0x2  }
0x2e: {  	s0 =	rddreg [dreg:$0x0];
	s2 =	stileid.u32  }
0x2f: {  	s1 =	rddreg [dreg:$0x1];
	p0 =	sne.s32 s2, $0x0  }
0x30: {  	s3 =	rddreg [dreg:$0x2];
	[bflag:$0x3] =	sbarrier.arrive $0xFFFF;
	s2 =	simm.s32 @!p0 $0x1C02  }
0x31: {  	[timem:s3], [sflag:s2] =	dma.local @!p0 [hbm:s0], s1  }
0x32: {  	s0 =	simm.s32 @!p0 $0x2  }
0x33: {  	_ =	swait.ge @!p0 [sflag:s0], s1  }
0x34: {  	s1 =	ssub.s32 @!p0 $0x0, s1;
	[sflag:s0] =	ssyncset.done @!p0 $0x0  }
0x35: {  	[sflag:s0] =	ssyncadd.s32 @!p0 s1  }
0x36: {  	[bflag:$0x3] =	sbarrier.arrive $0xFFFF  }
0x37: {  	_ =	shalt  }

</sc_bundles>
